<compile_context>
chip_gen: v7x
topology: tpu7x:2x2x1
jax: 0.10.2.dev20260603
libtpu: 0.0.44.dev20260713+nightly
codegen_flags: <defaults>
</compile_context>

<pallas_src>
import functools

import jax
import jax.numpy as jnp
from jax import lax
from jax.experimental import pallas as pl
from jax.experimental.pallas import tpu as pltpu, tpu_sc as plsc

M = 1025
NLAGS = 63
PADLEN = 2048
NCHUNK = 65
PAD = 480


def _gather16(x, idx):
    dnums = lax.GatherDimensionNumbers(
        offset_dims=(), collapsed_slice_dims=(0,), start_index_map=(0,))
    return lax.gather(x, idx[:, None], dnums, (1,),
                      mode=lax.GatherScatterMode.PROMISE_IN_BOUNDS)


def _lanesum(x, lane):
    for sh in (8, 4, 2, 1):
        x = x + _gather16(x, jnp.bitwise_xor(lane, sh))
    return x


def _sc_corr(wtx_hbm, wrx_hbm, out_hbm, wtx_v, wrx_v, res_v, sem1, sem2):
    s = lax.axis_index("s")

    cp1 = pltpu.async_copy(wtx_hbm, wtx_v, sem1)
    cp2 = pltpu.async_copy(wrx_hbm, wrx_v, sem2)
    cp1.wait()
    cp2.wait()

    r0 = 32 * (31 - s)
    r1 = 32 * (15 - s)
    t2 = 32 * (s + 1)
    t3 = 32 * (jnp.minimum(s + 17, 31))

    zero = jnp.zeros((16,), jnp.float32)

    def body(i, carry):
        at, ar, a0, a1, a2, a3 = carry
        b = i * 16
        t = wtx_v[pl.ds(b, 16)]
        r = wrx_v[pl.ds(b, 16)]
        at = at + t * t
        ar = ar + r * r
        a0 = a0 + t * wrx_v[pl.ds(b + r0, 16)]
        a1 = a1 + t * wrx_v[pl.ds(b + r1, 16)]
        a2 = a2 + r * wtx_v[pl.ds(b + t2, 16)]
        a3 = a3 + r * wtx_v[pl.ds(b + t3, 16)]
        return at, ar, a0, a1, a2, a3

    at, ar, a0, a1, a2, a3 = lax.fori_loop(
        0, NCHUNK, body, (zero,) * 6)

    lane = lax.iota(jnp.int32, 16)
    st = _lanesum(at, lane)
    sr = _lanesum(ar, lane)
    s0 = _lanesum(a0, lane)
    s1 = _lanesum(a1, lane)
    s2 = _lanesum(a2, lane)
    s3 = _lanesum(a3, lane) * jnp.where(s + 48 <= NLAGS - 1, 1.0, 0.0)

    p = (st * sr)[0]
    iv = lax.bitcast_convert_type(p, jnp.int32)
    y = lax.bitcast_convert_type(
        jnp.int32(0x5F3759DF) - lax.shift_right_logical(iv, 1), jnp.float32)
    half_p = 0.5 * p
    for _ in range(3):
        y = y * (1.5 - half_p * y * y)

    one = jnp.ones((16,), jnp.float32)
    res = s0 * jnp.where(lane == 0, one, zero)
    res = res + s1 * jnp.where(lane == 1, one, zero)
    res = res + s2 * jnp.where(lane == 2, one, zero)
    res = res + s3 * jnp.where(lane == 3, one, zero)
    res_v[...] = res * y
    pltpu.sync_copy(res_v, out_hbm.at[s])


@jax.jit
def _run(wtx_pad, wrx_pad):
    mesh = plsc.VectorSubcoreMesh(
        core_axis_name="c", subcore_axis_name="s", num_cores=1)
    f = functools.partial(
        pl.kernel,
        out_type=jax.ShapeDtypeStruct((16, 16), jnp.float32),
        mesh=mesh,
        scratch_types=[
            pltpu.VMEM((PADLEN,), jnp.float32),
            pltpu.VMEM((PADLEN,), jnp.float32),
            pltpu.VMEM((16,), jnp.float32),
            pltpu.SemaphoreType.DMA,
            pltpu.SemaphoreType.DMA,
        ],
    )(_sc_corr)
    return f(wtx_pad, wrx_pad)


def kernel(W_tx, W_rx, L):
    wtx_pad = jnp.zeros((PADLEN,), jnp.float32).at[:M].set(W_tx)
    wrx_pad = jnp.zeros((PADLEN,), jnp.float32).at[:M].set(W_rx)
    rows = _run(wtx_pad, wrx_pad)
    vals = rows[:, :4].T.reshape(64)[:NLAGS]
    z = jnp.zeros((PAD,), jnp.float32)
    a = jnp.concatenate([z, vals, z])
    return lax.complex(a, jnp.zeros_like(a))

# --- scband reference (transcript-rebuilt; emitter-appended) ---
"""Pipeline reference for scband-step-wise-trainable-pulse-shaping-30889404792872 (READ-ONLY COPY).

The authoritative reference and input builder live on the scoring server;
editing this copy changes nothing except your own understanding.
"""

import jax, jax.numpy as jnp
import numpy as np

M = 1025
DURATION = 8.0
BANDWIDTH = 4.0
D = int(DURATION * BANDWIDTH)  # 32
Q = int(M / D)  # 32


def _build_B():
    Bs_gather = []
    Bs_scatter = []
    Bs_size = []
    for l in range(-D + 1, D):
        Bg = []
        Bs = []
        for n in range(M):
            k = n - Q * l
            if k < M and k >= 0:
                Bg.append(k)
                Bs.append(n)
        s = len(Bs)
        pad = M - s
        Bs_gather.append(np.concatenate([np.asarray(Bg, np.int64), np.zeros(pad, np.int64)]))
        Bs_scatter.append(np.concatenate([np.asarray(Bs, np.int64), np.zeros(pad, np.int64)]))
        Bs_size.append(s)
    return (np.asarray(Bs_gather, np.int32), np.asarray(Bs_scatter, np.int32), np.asarray(Bs_size, np.int32))


BG, BS, BSZ = _build_B()


def setup_inputs(seed: int = 0) -> dict:
    key = jax.random.key(seed)
    k1, k2 = jax.random.split(key)
    W_tx = jax.random.normal(k1, (M,), dtype=jnp.float32) * 0.05
    W_rx = jax.random.normal(k2, (M,), dtype=jnp.float32) * 0.05
    return {"W_tx": W_tx, "W_rx": W_rx, "L": 1024}


def _normalize(W):
    c = DURATION / float(M)
    total_en = c * jnp.sum(jnp.square(W))
    return W / jnp.sqrt(total_en)


def _quad_product(W1, W2, l):
    # faithful translation of compute_B_quad_product: gather from W2 at shifted
    # indices, scatter into a length-M buffer, inner-product with W1.
    c = DURATION / float(M)
    s = int(BSZ[l + D - 1])
    Bg = jnp.asarray(BG[l + D - 1][:s])
    Bs = jnp.asarray(BS[l + D - 1][:s])
    g = jnp.take(W2, Bg)
    v = jnp.zeros((M,), dtype=W2.dtype).at[Bs].add(g)  # indices unique -> same as scatter_nd
    return jnp.sum(W1 * v) * c


def reference(W_tx, W_rx, L):
    Wtx = _normalize(W_tx)
    Wrx = _normalize(W_rx)
    vals = [_quad_product(Wtx, Wrx, l) for l in range(-D + 1, D)]
    a = jnp.stack(vals)
    pad = (1024 - 2 * D + 1) // 2
    z = jnp.zeros((pad,), jnp.float32) * jnp.asarray(L, jnp.float32)
    a = jnp.concatenate([z, a, z], axis=0)
    return jax.lax.complex(a, jnp.zeros_like(a))

if __name__ == "__main__":
    import jax
    _d = setup_inputs()
    print(jax.jit(kernel)(*tuple(_d.values())))

</pallas_src>

<mosaic_0001>
#map = affine_map<(d0, d1) -> (0)>
#map1 = affine_map<(d0, d1) -> (0, 0)>
module attributes {stable_mosaic.version = 14 : i64} {
  func.func @_sc_corr(%arg0: i32, %arg1: i32, %arg2: memref<2048xf32, #tpu.memory_space<hbm>>, %arg3: memref<2048xf32, #tpu.memory_space<hbm>>, %arg4: memref<16x16xf32, #tpu.memory_space<hbm>>, %arg5: memref<2048xf32, #tpu.memory_space<vmem>>, %arg6: memref<2048xf32, #tpu.memory_space<vmem>>, %arg7: memref<16xf32, #tpu.memory_space<vmem>>, %arg8: memref<!tpu.dma_semaphore, #tpu.memory_space<semaphore_mem>>, %arg9: memref<!tpu.dma_semaphore, #tpu.memory_space<semaphore_mem>>) attributes {dimension_semantics = [#tpu.dimension_semantics<core_parallel>, #tpu.dimension_semantics<subcore_parallel>], iteration_bounds = array<i64: 1, 16>, scalar_prefetch = 0 : i64, scratch_operands = 5 : i64, tpu.core_type = #tpu.core_type<sc_vector_subcore>, window_params = [{transform_indices = #map}, {transform_indices = #map}, {transform_indices = #map1}]} {
    tpu.enqueue_dma source(%arg2 : memref<2048xf32, #tpu.memory_space<hbm>>) target(%arg5 : memref<2048xf32, #tpu.memory_space<vmem>>) target_semaphore(%arg8 : memref<!tpu.dma_semaphore, #tpu.memory_space<semaphore_mem>>)
    tpu.enqueue_dma source(%arg3 : memref<2048xf32, #tpu.memory_space<hbm>>) target(%arg6 : memref<2048xf32, #tpu.memory_space<vmem>>) target_semaphore(%arg9 : memref<!tpu.dma_semaphore, #tpu.memory_space<semaphore_mem>>)
    tpu.wait_dma2 semaphore(%arg8 : memref<!tpu.dma_semaphore, #tpu.memory_space<semaphore_mem>>) src(%arg2 : memref<2048xf32, #tpu.memory_space<hbm>>) dst(%arg5 : memref<2048xf32, #tpu.memory_space<vmem>>)
    tpu.wait_dma2 semaphore(%arg9 : memref<!tpu.dma_semaphore, #tpu.memory_space<semaphore_mem>>) src(%arg3 : memref<2048xf32, #tpu.memory_space<hbm>>) dst(%arg6 : memref<2048xf32, #tpu.memory_space<vmem>>)
    %sub3A = arith.constant 31 : i32
    %sub3A_0 = arith.subi %sub3A, %arg1 : i32
    %mul3A = arith.constant 32 : i32
    %mul3A_1 = arith.muli %mul3A, %sub3A_0 : i32
    %sub3A_2 = arith.constant 15 : i32
    %sub3A_3 = arith.subi %sub3A_2, %arg1 : i32
    %mul3A_4 = arith.constant 32 : i32
    %mul3A_5 = arith.muli %mul3A_4, %sub3A_3 : i32
    %add3A = arith.constant 1 : i32
    %add3A_6 = arith.addi %arg1, %add3A : i32
    %mul3A_7 = arith.constant 32 : i32
    %mul3A_8 = arith.muli %mul3A_7, %add3A_6 : i32
    %add3A_9 = arith.constant 17 : i32
    %add3A_10 = arith.addi %arg1, %add3A_9 : i32
    %min3A = arith.constant 31 : i32
    %min3A_11 = arith.minsi %add3A_10, %min3A : i32
    %mul3A_12 = arith.constant 32 : i32
    %mul3A_13 = arith.muli %mul3A_12, %min3A_11 : i32
    %broadcast_in_dim3A = arith.constant 0.000000e+00 : f32
    %broadcast_in_dim3A_14 = vector.broadcast %broadcast_in_dim3A : f32 to vector<16xf32>
    %scan3A = arith.constant 0 : i32
    %scan3A_15 = arith.constant 65 : i32
    %scan3A_16 = arith.addi %scan3A, %scan3A_15 : i32
    %scan3A_17 = arith.constant 1 : i32
    %scan3A_18:6 = scf.for %scan3A_243 = %scan3A to %scan3A_16 step %scan3A_17 iter_args(%scan3A_244 = %broadcast_in_dim3A_14, %scan3A_245 = %broadcast_in_dim3A_14, %scan3A_246 = %broadcast_in_dim3A_14, %scan3A_247 = %broadcast_in_dim3A_14, %scan3A_248 = %broadcast_in_dim3A_14, %scan3A_249 = %broadcast_in_dim3A_14) -> (vector<16xf32>, vector<16xf32>, vector<16xf32>, vector<16xf32>, vector<16xf32>, vector<16xf32>)  : i32 {
      %mul3A_250 = arith.constant 16 : i32
      %mul3A_251 = arith.muli %scan3A_243, %mul3A_250 : i32
      %get3A = arith.index_cast %mul3A_251 : i32 to index
      %get3A_252 = tpu.vector_load %arg5[%get3A] {strides = array<i32>} : memref<2048xf32, #tpu.memory_space<vmem>>, vector<16xf32>,
      %get3A_253 = vector.shape_cast %get3A_252 : vector<16xf32> to vector<16xf32>
      %get3A_254 = arith.index_cast %mul3A_251 : i32 to index
      %get3A_255 = tpu.vector_load %arg6[%get3A_254] {strides = array<i32>} : memref<2048xf32, #tpu.memory_space<vmem>>, vector<16xf32>,
      %get3A_256 = vector.shape_cast %get3A_255 : vector<16xf32> to vector<16xf32>
      %mul3A_257 = arith.mulf %get3A_253, %get3A_253 : vector<16xf32>
      %add3A_258 = arith.addf %scan3A_244, %mul3A_257 : vector<16xf32>
      %mul3A_259 = arith.mulf %get3A_256, %get3A_256 : vector<16xf32>
      %add3A_260 = arith.addf %scan3A_245, %mul3A_259 : vector<16xf32>
      %add3A_261 = arith.addi %mul3A_251, %mul3A_1 : i32
      %get3A_262 = arith.index_cast %add3A_261 : i32 to index
      %get3A_263 = tpu.vector_load %arg6[%get3A_262] {strides = array<i32>} : memref<2048xf32, #tpu.memory_space<vmem>>, vector<16xf32>,
      %get3A_264 = vector.shape_cast %get3A_263 : vector<16xf32> to vector<16xf32>
      %mul3A_265 = arith.mulf %get3A_253, %get3A_264 : vector<16xf32>
      %add3A_266 = arith.addf %scan3A_246, %mul3A_265 : vector<16xf32>
      %add3A_267 = arith.addi %mul3A_251, %mul3A_5 : i32
      %get3A_268 = arith.index_cast %add3A_267 : i32 to index
      %get3A_269 = tpu.vector_load %arg6[%get3A_268] {strides = array<i32>} : memref<2048xf32, #tpu.memory_space<vmem>>, vector<16xf32>,
      %get3A_270 = vector.shape_cast %get3A_269 : vector<16xf32> to vector<16xf32>
      %mul3A_271 = arith.mulf %get3A_253, %get3A_270 : vector<16xf32>
      %add3A_272 = arith.addf %scan3A_247, %mul3A_271 : vector<16xf32>
      %add3A_273 = arith.addi %mul3A_251, %mul3A_8 : i32
      %get3A_274 = arith.index_cast %add3A_273 : i32 to index
      %get3A_275 = tpu.vector_load %arg5[%get3A_274] {strides = array<i32>} : memref<2048xf32, #tpu.memory_space<vmem>>, vector<16xf32>,
      %get3A_276 = vector.shape_cast %get3A_275 : vector<16xf32> to vector<16xf32>
      %mul3A_277 = arith.mulf %get3A_256, %get3A_276 : vector<16xf32>
      %add3A_278 = arith.addf %scan3A_248, %mul3A_277 : vector<16xf32>
      %add3A_279 = arith.addi %mul3A_251, %mul3A_13 : i32
      %get3A_280 = arith.index_cast %add3A_279 : i32 to index
      %get3A_281 = tpu.vector_load %arg5[%get3A_280] {strides = array<i32>} : memref<2048xf32, #tpu.memory_space<vmem>>, vector<16xf32>,
      %get3A_282 = vector.shape_cast %get3A_281 : vector<16xf32> to vector<16xf32>
      %mul3A_283 = arith.mulf %get3A_256, %get3A_282 : vector<16xf32>
      %add3A_284 = arith.addf %scan3A_249, %mul3A_283 : vector<16xf32>
      scf.yield %add3A_258, %add3A_260, %add3A_266, %add3A_272, %add3A_278, %add3A_284 : vector<16xf32>, vector<16xf32>, vector<16xf32>, vector<16xf32>, vector<16xf32>, vector<16xf32>
    }
    %scan3A_19 = arith.constant 65 : i32
    %iota3A = tpu.iota {dimensions = array<i32: 0>} : vector<16xi32>
    %xor3A = arith.constant 8 : i32
    %xor3A_20 = vector.broadcast %xor3A : i32 to vector<16xi32>
    %xor3A_21 = arith.xori %iota3A, %xor3A_20 : vector<16xi32>
    %broadcast_in_dim3A_22 = vector.shape_cast %xor3A_21 : vector<16xi32> to vector<16x1xi32>
    %gather3A = vector.shape_cast %broadcast_in_dim3A_22 : vector<16x1xi32> to vector<16xi32>
    %gather3A_23 = tpu.dynamic_gather %scan3A_18#0[%gather3A] in [0] : vector<16xf32>, vector<16xi32> -> vector<16xf32>
    %add3A_24 = arith.addf %scan3A_18#0, %gather3A_23 : vector<16xf32>
    %xor3A_25 = arith.constant 4 : i32
    %xor3A_26 = vector.broadcast %xor3A_25 : i32 to vector<16xi32>
    %xor3A_27 = arith.xori %iota3A, %xor3A_26 : vector<16xi32>
    %broadcast_in_dim3A_28 = vector.shape_cast %xor3A_27 : vector<16xi32> to vector<16x1xi32>
    %gather3A_29 = vector.shape_cast %broadcast_in_dim3A_28 : vector<16x1xi32> to vector<16xi32>
    %gather3A_30 = tpu.dynamic_gather %add3A_24[%gather3A_29] in [0] : vector<16xf32>, vector<16xi32> -> vector<16xf32>
    %add3A_31 = arith.addf %add3A_24, %gather3A_30 : vector<16xf32>
    %xor3A_32 = arith.constant 2 : i32
    %xor3A_33 = vector.broadcast %xor3A_32 : i32 to vector<16xi32>
    %xor3A_34 = arith.xori %iota3A, %xor3A_33 : vector<16xi32>
    %broadcast_in_dim3A_35 = vector.shape_cast %xor3A_34 : vector<16xi32> to vector<16x1xi32>
    %gather3A_36 = vector.shape_cast %broadcast_in_dim3A_35 : vector<16x1xi32> to vector<16xi32>
    %gather3A_37 = tpu.dynamic_gather %add3A_31[%gather3A_36] in [0] : vector<16xf32>, vector<16xi32> -> vector<16xf32>
    %add3A_38 = arith.addf %add3A_31, %gather3A_37 : vector<16xf32>
    %xor3A_39 = arith.constant 1 : i32
    %xor3A_40 = vector.broadcast %xor3A_39 : i32 to vector<16xi32>
    %xor3A_41 = arith.xori %iota3A, %xor3A_40 : vector<16xi32>
    %broadcast_in_dim3A_42 = vector.shape_cast %xor3A_41 : vector<16xi32> to vector<16x1xi32>
    %gather3A_43 = vector.shape_cast %broadcast_in_dim3A_42 : vector<16x1xi32> to vector<16xi32>
    %gather3A_44 = tpu.dynamic_gather %add3A_38[%gather3A_43] in [0] : vector<16xf32>, vector<16xi32> -> vector<16xf32>
    %add3A_45 = arith.addf %add3A_38, %gather3A_44 : vector<16xf32>
    %xor3A_46 = arith.constant 8 : i32
    %xor3A_47 = vector.broadcast %xor3A_46 : i32 to vector<16xi32>
    %xor3A_48 = arith.xori %iota3A, %xor3A_47 : vector<16xi32>
    %broadcast_in_dim3A_49 = vector.shape_cast %xor3A_48 : vector<16xi32> to vector<16x1xi32>
    %gather3A_50 = vector.shape_cast %broadcast_in_dim3A_49 : vector<16x1xi32> to vector<16xi32>
    %gather3A_51 = tpu.dynamic_gather %scan3A_18#1[%gather3A_50] in [0] : vector<16xf32>, vector<16xi32> -> vector<16xf32>
    %add3A_52 = arith.addf %scan3A_18#1, %gather3A_51 : vector<16xf32>
    %xor3A_53 = arith.constant 4 : i32
    %xor3A_54 = vector.broadcast %xor3A_53 : i32 to vector<16xi32>
    %xor3A_55 = arith.xori %iota3A, %xor3A_54 : vector<16xi32>
    %broadcast_in_dim3A_56 = vector.shape_cast %xor3A_55 : vector<16xi32> to vector<16x1xi32>
    %gather3A_57 = vector.shape_cast %broadcast_in_dim3A_56 : vector<16x1xi32> to vector<16xi32>
    %gather3A_58 = tpu.dynamic_gather %add3A_52[%gather3A_57] in [0] : vector<16xf32>, vector<16xi32> -> vector<16xf32>
    %add3A_59 = arith.addf %add3A_52, %gather3A_58 : vector<16xf32>
    %xor3A_60 = arith.constant 2 : i32
    %xor3A_61 = vector.broadcast %xor3A_60 : i32 to vector<16xi32>
    %xor3A_62 = arith.xori %iota3A, %xor3A_61 : vector<16xi32>
    %broadcast_in_dim3A_63 = vector.shape_cast %xor3A_62 : vector<16xi32> to vector<16x1xi32>
    %gather3A_64 = vector.shape_cast %broadcast_in_dim3A_63 : vector<16x1xi32> to vector<16xi32>
    %gather3A_65 = tpu.dynamic_gather %add3A_59[%gather3A_64] in [0] : vector<16xf32>, vector<16xi32> -> vector<16xf32>
    %add3A_66 = arith.addf %add3A_59, %gather3A_65 : vector<16xf32>
    %xor3A_67 = arith.constant 1 : i32
    %xor3A_68 = vector.broadcast %xor3A_67 : i32 to vector<16xi32>
    %xor3A_69 = arith.xori %iota3A, %xor3A_68 : vector<16xi32>
    %broadcast_in_dim3A_70 = vector.shape_cast %xor3A_69 : vector<16xi32> to vector<16x1xi32>
    %gather3A_71 = vector.shape_cast %broadcast_in_dim3A_70 : vector<16x1xi32> to vector<16xi32>
    %gather3A_72 = tpu.dynamic_gather %add3A_66[%gather3A_71] in [0] : vector<16xf32>, vector<16xi32> -> vector<16xf32>
    %add3A_73 = arith.addf %add3A_66, %gather3A_72 : vector<16xf32>
    %xor3A_74 = arith.constant 8 : i32
    %xor3A_75 = vector.broadcast %xor3A_74 : i32 to vector<16xi32>
    %xor3A_76 = arith.xori %iota3A, %xor3A_75 : vector<16xi32>
    %broadcast_in_dim3A_77 = vector.shape_cast %xor3A_76 : vector<16xi32> to vector<16x1xi32>
    %gather3A_78 = vector.shape_cast %broadcast_in_dim3A_77 : vector<16x1xi32> to vector<16xi32>
    %gather3A_79 = tpu.dynamic_gather %scan3A_18#2[%gather3A_78] in [0] : vector<16xf32>, vector<16xi32> -> vector<16xf32>
    %add3A_80 = arith.addf %scan3A_18#2, %gather3A_79 : vector<16xf32>
    %xor3A_81 = arith.constant 4 : i32
    %xor3A_82 = vector.broadcast %xor3A_81 : i32 to vector<16xi32>
    %xor3A_83 = arith.xori %iota3A, %xor3A_82 : vector<16xi32>
    %broadcast_in_dim3A_84 = vector.shape_cast %xor3A_83 : vector<16xi32> to vector<16x1xi32>
    %gather3A_85 = vector.shape_cast %broadcast_in_dim3A_84 : vector<16x1xi32> to vector<16xi32>
    %gather3A_86 = tpu.dynamic_gather %add3A_80[%gather3A_85] in [0] : vector<16xf32>, vector<16xi32> -> vector<16xf32>
    %add3A_87 = arith.addf %add3A_80, %gather3A_86 : vector<16xf32>
    %xor3A_88 = arith.constant 2 : i32
    %xor3A_89 = vector.broadcast %xor3A_88 : i32 to vector<16xi32>
    %xor3A_90 = arith.xori %iota3A, %xor3A_89 : vector<16xi32>
    %broadcast_in_dim3A_91 = vector.shape_cast %xor3A_90 : vector<16xi32> to vector<16x1xi32>
    %gather3A_92 = vector.shape_cast %broadcast_in_dim3A_91 : vector<16x1xi32> to vector<16xi32>
    %gather3A_93 = tpu.dynamic_gather %add3A_87[%gather3A_92] in [0] : vector<16xf32>, vector<16xi32> -> vector<16xf32>
    %add3A_94 = arith.addf %add3A_87, %gather3A_93 : vector<16xf32>
    %xor3A_95 = arith.constant 1 : i32
    %xor3A_96 = vector.broadcast %xor3A_95 : i32 to vector<16xi32>
    %xor3A_97 = arith.xori %iota3A, %xor3A_96 : vector<16xi32>
    %broadcast_in_dim3A_98 = vector.shape_cast %xor3A_97 : vector<16xi32> to vector<16x1xi32>
    %gather3A_99 = vector.shape_cast %broadcast_in_dim3A_98 : vector<16x1xi32> to vector<16xi32>
    %gather3A_100 = tpu.dynamic_gather %add3A_94[%gather3A_99] in [0] : vector<16xf32>, vector<16xi32> -> vector<16xf32>
    %add3A_101 = arith.addf %add3A_94, %gather3A_100 : vector<16xf32>
    %xor3A_102 = arith.constant 8 : i32
    %xor3A_103 = vector.broadcast %xor3A_102 : i32 to vector<16xi32>
    %xor3A_104 = arith.xori %iota3A, %xor3A_103 : vector<16xi32>
    %broadcast_in_dim3A_105 = vector.shape_cast %xor3A_104 : vector<16xi32> to vector<16x1xi32>
    %gather3A_106 = vector.shape_cast %broadcast_in_dim3A_105 : vector<16x1xi32> to vector<16xi32>
    %gather3A_107 = tpu.dynamic_gather %scan3A_18#3[%gather3A_106] in [0] : vector<16xf32>, vector<16xi32> -> vector<16xf32>
    %add3A_108 = arith.addf %scan3A_18#3, %gather3A_107 : vector<16xf32>
    %xor3A_109 = arith.constant 4 : i32
    %xor3A_110 = vector.broadcast %xor3A_109 : i32 to vector<16xi32>
    %xor3A_111 = arith.xori %iota3A, %xor3A_110 : vector<16xi32>
    %broadcast_in_dim3A_112 = vector.shape_cast %xor3A_111 : vector<16xi32> to vector<16x1xi32>
    %gather3A_113 = vector.shape_cast %broadcast_in_dim3A_112 : vector<16x1xi32> to vector<16xi32>
    %gather3A_114 = tpu.dynamic_gather %add3A_108[%gather3A_113] in [0] : vector<16xf32>, vector<16xi32> -> vector<16xf32>
    %add3A_115 = arith.addf %add3A_108, %gather3A_114 : vector<16xf32>
    %xor3A_116 = arith.constant 2 : i32
    %xor3A_117 = vector.broadcast %xor3A_116 : i32 to vector<16xi32>
    %xor3A_118 = arith.xori %iota3A, %xor3A_117 : vector<16xi32>
    %broadcast_in_dim3A_119 = vector.shape_cast %xor3A_118 : vector<16xi32> to vector<16x1xi32>
    %gather3A_120 = vector.shape_cast %broadcast_in_dim3A_119 : vector<16x1xi32> to vector<16xi32>
    %gather3A_121 = tpu.dynamic_gather %add3A_115[%gather3A_120] in [0] : vector<16xf32>, vector<16xi32> -> vector<16xf32>
    %add3A_122 = arith.addf %add3A_115, %gather3A_121 : vector<16xf32>
    %xor3A_123 = arith.constant 1 : i32
    %xor3A_124 = vector.broadcast %xor3A_123 : i32 to vector<16xi32>
    %xor3A_125 = arith.xori %iota3A, %xor3A_124 : vector<16xi32>
    %broadcast_in_dim3A_126 = vector.shape_cast %xor3A_125 : vector<16xi32> to vector<16x1xi32>
    %gather3A_127 = vector.shape_cast %broadcast_in_dim3A_126 : vector<16x1xi32> to vector<16xi32>
    %gather3A_128 = tpu.dynamic_gather %add3A_122[%gather3A_127] in [0] : vector<16xf32>, vector<16xi32> -> vector<16xf32>
    %add3A_129 = arith.addf %add3A_122, %gather3A_128 : vector<16xf32>
    %xor3A_130 = arith.constant 8 : i32
    %xor3A_131 = vector.broadcast %xor3A_130 : i32 to vector<16xi32>
    %xor3A_132 = arith.xori %iota3A, %xor3A_131 : vector<16xi32>
    %broadcast_in_dim3A_133 = vector.shape_cast %xor3A_132 : vector<16xi32> to vector<16x1xi32>
    %gather3A_134 = vector.shape_cast %broadcast_in_dim3A_133 : vector<16x1xi32> to vector<16xi32>
    %gather3A_135 = tpu.dynamic_gather %scan3A_18#4[%gather3A_134] in [0] : vector<16xf32>, vector<16xi32> -> vector<16xf32>
    %add3A_136 = arith.addf %scan3A_18#4, %gather3A_135 : vector<16xf32>
    %xor3A_137 = arith.constant 4 : i32
    %xor3A_138 = vector.broadcast %xor3A_137 : i32 to vector<16xi32>
    %xor3A_139 = arith.xori %iota3A, %xor3A_138 : vector<16xi32>
    %broadcast_in_dim3A_140 = vector.shape_cast %xor3A_139 : vector<16xi32> to vector<16x1xi32>
    %gather3A_141 = vector.shape_cast %broadcast_in_dim3A_140 : vector<16x1xi32> to vector<16xi32>
    %gather3A_142 = tpu.dynamic_gather %add3A_136[%gather3A_141] in [0] : vector<16xf32>, vector<16xi32> -> vector<16xf32>
    %add3A_143 = arith.addf %add3A_136, %gather3A_142 : vector<16xf32>
    %xor3A_144 = arith.constant 2 : i32
    %xor3A_145 = vector.broadcast %xor3A_144 : i32 to vector<16xi32>
    %xor3A_146 = arith.xori %iota3A, %xor3A_145 : vector<16xi32>
    %broadcast_in_dim3A_147 = vector.shape_cast %xor3A_146 : vector<16xi32> to vector<16x1xi32>
    %gather3A_148 = vector.shape_cast %broadcast_in_dim3A_147 : vector<16x1xi32> to vector<16xi32>
    %gather3A_149 = tpu.dynamic_gather %add3A_143[%gather3A_148] in [0] : vector<16xf32>, vector<16xi32> -> vector<16xf32>
    %add3A_150 = arith.addf %add3A_143, %gather3A_149 : vector<16xf32>
    %xor3A_151 = arith.constant 1 : i32
    %xor3A_152 = vector.broadcast %xor3A_151 : i32 to vector<16xi32>
    %xor3A_153 = arith.xori %iota3A, %xor3A_152 : vector<16xi32>
    %broadcast_in_dim3A_154 = vector.shape_cast %xor3A_153 : vector<16xi32> to vector<16x1xi32>
    %gather3A_155 = vector.shape_cast %broadcast_in_dim3A_154 : vector<16x1xi32> to vector<16xi32>
    %gather3A_156 = tpu.dynamic_gather %add3A_150[%gather3A_155] in [0] : vector<16xf32>, vector<16xi32> -> vector<16xf32>
    %add3A_157 = arith.addf %add3A_150, %gather3A_156 : vector<16xf32>
    %xor3A_158 = arith.constant 8 : i32
    %xor3A_159 = vector.broadcast %xor3A_158 : i32 to vector<16xi32>
    %xor3A_160 = arith.xori %iota3A, %xor3A_159 : vector<16xi32>
    %broadcast_in_dim3A_161 = vector.shape_cast %xor3A_160 : vector<16xi32> to vector<16x1xi32>
    %gather3A_162 = vector.shape_cast %broadcast_in_dim3A_161 : vector<16x1xi32> to vector<16xi32>
    %gather3A_163 = tpu.dynamic_gather %scan3A_18#5[%gather3A_162] in [0] : vector<16xf32>, vector<16xi32> -> vector<16xf32>
    %add3A_164 = arith.addf %scan3A_18#5, %gather3A_163 : vector<16xf32>
    %xor3A_165 = arith.constant 4 : i32
    %xor3A_166 = vector.broadcast %xor3A_165 : i32 to vector<16xi32>
    %xor3A_167 = arith.xori %iota3A, %xor3A_166 : vector<16xi32>
    %broadcast_in_dim3A_168 = vector.shape_cast %xor3A_167 : vector<16xi32> to vector<16x1xi32>
    %gather3A_169 = vector.shape_cast %broadcast_in_dim3A_168 : vector<16x1xi32> to vector<16xi32>
    %gather3A_170 = tpu.dynamic_gather %add3A_164[%gather3A_169] in [0] : vector<16xf32>, vector<16xi32> -> vector<16xf32>
    %add3A_171 = arith.addf %add3A_164, %gather3A_170 : vector<16xf32>
    %xor3A_172 = arith.constant 2 : i32
    %xor3A_173 = vector.broadcast %xor3A_172 : i32 to vector<16xi32>
    %xor3A_174 = arith.xori %iota3A, %xor3A_173 : vector<16xi32>
    %broadcast_in_dim3A_175 = vector.shape_cast %xor3A_174 : vector<16xi32> to vector<16x1xi32>
    %gather3A_176 = vector.shape_cast %broadcast_in_dim3A_175 : vector<16x1xi32> to vector<16xi32>
    %gather3A_177 = tpu.dynamic_gather %add3A_171[%gather3A_176] in [0] : vector<16xf32>, vector<16xi32> -> vector<16xf32>
    %add3A_178 = arith.addf %add3A_171, %gather3A_177 : vector<16xf32>
    %xor3A_179 = arith.constant 1 : i32
    %xor3A_180 = vector.broadcast %xor3A_179 : i32 to vector<16xi32>
    %xor3A_181 = arith.xori %iota3A, %xor3A_180 : vector<16xi32>
    %broadcast_in_dim3A_182 = vector.shape_cast %xor3A_181 : vector<16xi32> to vector<16x1xi32>
    %gather3A_183 = vector.shape_cast %broadcast_in_dim3A_182 : vector<16x1xi32> to vector<16xi32>
    %gather3A_184 = tpu.dynamic_gather %add3A_178[%gather3A_183] in [0] : vector<16xf32>, vector<16xi32> -> vector<16xf32>
    %add3A_185 = arith.addf %add3A_178, %gather3A_184 : vector<16xf32>
    %add3A_186 = arith.constant 48 : i32
    %add3A_187 = arith.addi %arg1, %add3A_186 : i32
    %le3A = arith.constant 62 : i32
    %le3A_188 = arith.cmpi sle, %add3A_187, %le3A : i32
    %jit3A = arith.constant 1.000000e+00 : f32
    %jit3A_189 = arith.constant 0.000000e+00 : f32
    %select_n3A = arith.select %le3A_188, %jit3A, %jit3A_189 : f32
    %mul3A_190 = vector.broadcast %select_n3A : f32 to vector<16xf32>
    %mul3A_191 = arith.mulf %add3A_185, %mul3A_190 : vector<16xf32>
    %mul3A_192 = arith.mulf %add3A_45, %add3A_73 : vector<16xf32>
    %slice3A = vector.extract_strided_slice %mul3A_192 {offsets = [0], sizes = [1], strides = [1]} : vector<16xf32> to vector<1xf32>
    %squeeze3A = vector.extract %slice3A[0] : f32 from vector<1xf32>
    %bitcast_convert_type3A = arith.bitcast %squeeze3A : f32 to i32
    %shift_right_logical3A = arith.constant 1 : i32
    %shift_right_logical3A_193 = arith.shrui %bitcast_convert_type3A, %shift_right_logical3A : i32
    %sub3A_194 = arith.constant 1597463007 : i32
    %sub3A_195 = arith.subi %sub3A_194, %shift_right_logical3A_193 : i32
    %bitcast_convert_type3A_196 = arith.bitcast %sub3A_195 : i32 to f32
    %mul3A_197 = arith.constant 5.000000e-01 : f32
    %mul3A_198 = arith.mulf %mul3A_197, %squeeze3A : f32
    %mul3A_199 = arith.mulf %mul3A_198, %bitcast_convert_type3A_196 : f32
    %mul3A_200 = arith.mulf %mul3A_199, %bitcast_convert_type3A_196 : f32
    %sub3A_201 = arith.constant 1.500000e+00 : f32
    %sub3A_202 = arith.subf %sub3A_201, %mul3A_200 : f32
    %mul3A_203 = arith.mulf %bitcast_convert_type3A_196, %sub3A_202 : f32
    %mul3A_204 = arith.mulf %mul3A_198, %mul3A_203 : f32
    %mul3A_205 = arith.mulf %mul3A_204, %mul3A_203 : f32
    %sub3A_206 = arith.constant 1.500000e+00 : f32
    %sub3A_207 = arith.subf %sub3A_206, %mul3A_205 : f32
    %mul3A_208 = arith.mulf %mul3A_203, %sub3A_207 : f32
    %mul3A_209 = arith.mulf %mul3A_198, %mul3A_208 : f32
    %mul3A_210 = arith.mulf %mul3A_209, %mul3A_208 : f32
    %sub3A_211 = arith.constant 1.500000e+00 : f32
    %sub3A_212 = arith.subf %sub3A_211, %mul3A_210 : f32
    %mul3A_213 = arith.mulf %mul3A_208, %sub3A_212 : f32
    %broadcast_in_dim3A_214 = arith.constant 1.000000e+00 : f32
    %broadcast_in_dim3A_215 = vector.broadcast %broadcast_in_dim3A_214 : f32 to vector<16xf32>
    %eq3A = arith.constant 0 : i32
    %eq3A_216 = vector.broadcast %eq3A : i32 to vector<16xi32>
    %eq3A_217 = arith.cmpi eq, %iota3A, %eq3A_216 : vector<16xi32>
    %select_n3A_218 = arith.select %eq3A_217, %broadcast_in_dim3A_215, %broadcast_in_dim3A_14 : vector<16xi1>, vector<16xf32>
    %mul3A_219 = arith.mulf %add3A_101, %select_n3A_218 : vector<16xf32>
    %eq3A_220 = arith.constant 1 : i32
    %eq3A_221 = vector.broadcast %eq3A_220 : i32 to vector<16xi32>
    %eq3A_222 = arith.cmpi eq, %iota3A, %eq3A_221 : vector<16xi32>
    %select_n3A_223 = arith.select %eq3A_222, %broadcast_in_dim3A_215, %broadcast_in_dim3A_14 : vector<16xi1>, vector<16xf32>
    %mul3A_224 = arith.mulf %add3A_129, %select_n3A_223 : vector<16xf32>
    %add3A_225 = arith.addf %mul3A_219, %mul3A_224 : vector<16xf32>
    %eq3A_226 = arith.constant 2 : i32
    %eq3A_227 = vector.broadcast %eq3A_226 : i32 to vector<16xi32>
    %eq3A_228 = arith.cmpi eq, %iota3A, %eq3A_227 : vector<16xi32>
    %select_n3A_229 = arith.select %eq3A_228, %broadcast_in_dim3A_215, %broadcast_in_dim3A_14 : vector<16xi1>, vector<16xf32>
    %mul3A_230 = arith.mulf %add3A_157, %select_n3A_229 : vector<16xf32>
    %add3A_231 = arith.addf %add3A_225, %mul3A_230 : vector<16xf32>
    %eq3A_232 = arith.constant 3 : i32
    %eq3A_233 = vector.broadcast %eq3A_232 : i32 to vector<16xi32>
    %eq3A_234 = arith.cmpi eq, %iota3A, %eq3A_233 : vector<16xi32>
    %select_n3A_235 = arith.select %eq3A_234, %broadcast_in_dim3A_215, %broadcast_in_dim3A_14 : vector<16xi1>, vector<16xf32>
    %mul3A_236 = arith.mulf %mul3A_191, %select_n3A_235 : vector<16xf32>
    %add3A_237 = arith.addf %add3A_231, %mul3A_236 : vector<16xf32>
    %mul3A_238 = vector.broadcast %mul3A_213 : f32 to vector<16xf32>
    %mul3A_239 = arith.mulf %add3A_237, %mul3A_238 : vector<16xf32>
    %swap3A = arith.constant 0 : index
    %swap3A_240 = tpu.vector_load %arg7[%swap3A] {strides = array<i32>} : memref<16xf32, #tpu.memory_space<vmem>>, vector<16xf32>,
    %swap3A_241 = vector.shape_cast %swap3A_240 : vector<16xf32> to vector<16xf32>
    %swap3A_242 = vector.shape_cast %mul3A_239 : vector<16xf32> to vector<16xf32>
    tpu.vector_store %arg7[%swap3A], %swap3A_242 {strides = array<i32>} : memref<16xf32, #tpu.memory_space<vmem>>, vector<16xf32>,
    "tpu.region"() ({
      %run_scoped3A = tpu.sem_alloc : memref<!tpu.dma_semaphore, #tpu.memory_space<semaphore_mem>>
      %dma_start3A = arith.constant 0 : i32
      %dma_start3A_243 = tpu.memref_slice %arg4[%arg1, %dma_start3A] : memref<16x16xf32, #tpu.memory_space<hbm>> -> memref<1x16xf32, #tpu.memory_space<hbm>>
      %dma_start3A_244 = tpu.memref_squeeze %dma_start3A_243 : memref<1x16xf32, #tpu.memory_space<hbm>> -> memref<16xf32, #tpu.memory_space<hbm>>
      %dma_start3A_245 = arith.constant 0 : i32
      %dma_start3A_246 = tpu.memref_slice %arg4[%arg1, %dma_start3A_245] : memref<16x16xf32, #tpu.memory_space<hbm>> -> memref<1x16xf32, #tpu.memory_space<hbm>>
      %dma_start3A_247 = tpu.memref_squeeze %dma_start3A_246 : memref<1x16xf32, #tpu.memory_space<hbm>> -> memref<16xf32, #tpu.memory_space<hbm>>
      tpu.enqueue_dma source(%arg7 : memref<16xf32, #tpu.memory_space<vmem>>) target(%dma_start3A_247 : memref<16xf32, #tpu.memory_space<hbm>>) target_semaphore(%run_scoped3A : memref<!tpu.dma_semaphore, #tpu.memory_space<semaphore_mem>>)
      %dma_wait3A = arith.constant 0 : i32
      %dma_wait3A_248 = tpu.memref_slice %arg4[%arg1, %dma_wait3A] : memref<16x16xf32, #tpu.memory_space<hbm>> -> memref<1x16xf32, #tpu.memory_space<hbm>>
      %dma_wait3A_249 = tpu.memref_squeeze %dma_wait3A_248 : memref<1x16xf32, #tpu.memory_space<hbm>> -> memref<16xf32, #tpu.memory_space<hbm>>
      %dma_wait3A_250 = arith.constant 0 : i32
      %dma_wait3A_251 = tpu.memref_slice %arg4[%arg1, %dma_wait3A_250] : memref<16x16xf32, #tpu.memory_space<hbm>> -> memref<1x16xf32, #tpu.memory_space<hbm>>
      %dma_wait3A_252 = tpu.memref_squeeze %dma_wait3A_251 : memref<1x16xf32, #tpu.memory_space<hbm>> -> memref<16xf32, #tpu.memory_space<hbm>>
      tpu.wait_dma2 semaphore(%run_scoped3A : memref<!tpu.dma_semaphore, #tpu.memory_space<semaphore_mem>>) src(%arg7 : memref<16xf32, #tpu.memory_space<vmem>>) dst(%dma_wait3A_252 : memref<16xf32, #tpu.memory_space<hbm>>)
      tpu.yield
    }) : () -> ()
    return
  }
}

</mosaic_0001>

<sc_bundles>
// kernel: _run.3.cloned.1.call-start
scs
__scs_entry_jumppad:
0x0: {  	(pc) =	sbr.rel $0x88, $3  }
0x1: {  	(tag) =	ssettag $0x0;
	lr =	simm.s32 $0x1  }
0x2: {  	[smem:$0x3F9F] =	sst lr;
	_ =	strace $0xD0000000  }
0x3: {  	_ = 	snop  }
0x4: {  	_ = 	snop  }
0x5: {  	_ = 	snop  }
0x6: {  	_ = 	snop  }
0x7: {  	_ = 	snop  }
__scs_overlays_trampoline_lowered:
0x8: {  	[smem:$0x3FAE] =	sst s0  }
0x9: {  	[smem:$0x3FAF] =	sst s1  }
0xa: {  	[smem:$0x3FB0] =	sst s2  }
0xb: {  	[smem:$0x3FB1] =	sst s3  }
0xc: {  	[smem:$0x3FB2] =	sst s4  }
0xd: {  	[smem:$0x3FB3] =	sst s5  }
0xe: {  	[smem:$0x3FB4] =	sst s6  }
0xf: {  	[smem:$0x3FB5] =	sst s7  }
0x10: {  	[smem:$0x3FB6] =	sst s8  }
0x11: {  	[smem:$0x3FB7] =	sst s9;
	s0 =	simm.s32 @!p0 $0x0  }
0x12: {  	s1 =	sld [smem:$0x3F9D];
	s0 =	simm.s32 @p0 $0x1  }
0x13: {  	[smem:$0x3FB8] =	sst s0;
	s0 =	simm.s32 @!p1 $0x0  }
0x14: {  	s2 =	sld [smem:$0x3F9C];
	s0 =	simm.s32 @p1 $0x1  }
0x15: {  	[smem:$0x3FB9] =	sst s0;
	s0 =	simm.s32 @!p2 $0x0  }
0x16: {  	s3 =	sld [smem:$0x3FDB];
	s0 =	simm.s32 @p2 $0x1  }
0x17: {  	s4 =	simm.s32 $0x1BF5;
	[smem:$0x3FBB] =	sst s0  }
0x18: {  	s0 =	sld [smem:$0x3F9E];
	_ =	swait.ge [sflag:s4], $0x0  }
0x19: {  	s7 =	sld [smem:$0x3F9F]  }
0x1a: {  	s8 =	sadd.s32 $0xFFFFE003, lr  }
0x1b: {  	s9 =	sadd.s32 $0xFFFFFEF7, lr;
	s5 =	simm.s32 $0xFFFFFFFF;
	p2 =	slt.u32 s8, $0xFFFFF086  }
0x1c: {  	p1 =	slt.u32 s9, $0xF7A;
	s5 =	simm.s32 @!p2 $0x0  }
0x1d: {  	s5 =	simm.s32 @p1 $0x1;
	p0 =	seq.s32 s7, s2  }
0x1e: {  	s7 =	smul.u32 @!p0 $0xF7A, s2;
	p2 =	seq.s32 @!p0 s5, $0x0  }
0x1f: {  	s9 =	smul.u32 $0xF7A, s1;
	s8 =	simm.s32 @!p0 $0x1BF5;
	p2 =	por !p2, p0  }
0x20: {  	[sflag:s8] =	ssyncset.s32 @!p0 $0xFFFFF086;
	s6 =	sadd.s32 @!p0 s3, s7;
	s7 =	simm.s32 @!p0 $0x108  }
0x21: {  	s3 =	sadd.s32 s3, s9;
	s6 =	sadd.s32 @!p0 $0x88, s6;
	s7 =	simm.s32 @p2 $0x1082  }
0x22: {  	[simem:s7], [sflag:s8] =	dma.local @!p0 [hbm:s6], $0xF7A  }
0x23: {  	s9 =	sor.u32 $0xD0000000, s2;
	s6 =	simm.s32 $0x108;
	_ =	swait.ge @!p0 [sflag:s8], $0x0  }
0x24: {  	s3 =	sadd.s32 $0x88, s3;
	s6 =	simm.s32 @!p1 $0x1082;
	[sflag:s4] =	ssyncset.s32 $0xFFFFF086  }
0x25: {  	[simem:s6], [sflag:s4] =	dma.local [hbm:s3], $0xF7A  }
0x26: {  	[smem:$0x3F9F] =	sst s1;
	(tag) =	ssettag s2;
	_ =	strace s9  }
0x27: {  	s1 =	sld [smem:$0x3FAF]  }
0x28: {  	s2 =	sld [smem:$0x3FB0]  }
0x29: {  	s4 =	sld [smem:$0x3FB2]  }
0x2a: {  	p0 =	seq.s32 s5, $0x0;
	s5 =	sld [smem:$0x3FB3]  }
0x2b: {  	s6 =	sld [smem:$0x3FB4]  }
0x2c: {  	s7 =	sld [smem:$0x3FB5]  }
0x2d: {  	s3 =	simm.s32 $0x108;
	s8 =	sld [smem:$0x3FB6]  }
0x2e: {  	s3 =	simm.s32 @!p0 $0x1082;
	s9 =	sld [smem:$0x3FB7]  }
0x2f: {  	lr =	sadd.s32 s0, s3;
	s0 =	sld [smem:$0x3FAE]  }
0x30: {  	s3 =	sld [smem:$0x3FB1]  }
0x31: {  	[smem:$0x3FBA] =	sst s10  }
0x32: {  	s10 =	sld [smem:$0x3FB8];
	_ =	sdelay $0x3  }
0x33: {  	p0 =	seq.s32 s10, $0x1;
	s10 =	sld [smem:$0x3FBA];
	_ =	sdelay $0x3  }
0x34: {  	[smem:$0x3FBA] =	sst s10  }
0x35: {  	s10 =	sld [smem:$0x3FB9];
	_ =	sdelay $0x3  }
0x36: {  	p1 =	seq.s32 s10, $0x1;
	s10 =	sld [smem:$0x3FBA];
	_ =	sdelay $0x3  }
0x37: {  	[smem:$0x3FBA] =	sst s10  }
0x38: {  	s10 =	sld [smem:$0x3FBB]  }
0x39: {  	_ = 	snop;
	(pc) =	sbr.ind lr, $3  }
0x3a: {  	_ = 	snop  }
0x3b: {  	_ = 	snop  }
0x3c: {  	p2 =	seq.s32 s10, $0x1;
	s10 =	sld [smem:$0x3FBA]  }
0x3d: {  	_ =	shalt  }
0x3e: {  	_ =	shalt  }
0x3f: {  	_ =	shalt  }
0x40: {  	_ =	shalt  }
0x41: {  	_ =	shalt  }
0x42: {  	_ =	shalt  }
0x43: {  	_ =	shalt  }
0x44: {  	_ =	shalt  }
0x45: {  	_ =	shalt  }
0x46: {  	_ =	shalt  }
0x47: {  	_ =	shalt  }
0x48: {  	_ =	shalt  }
0x49: {  	_ =	shalt  }
0x4a: {  	_ =	shalt  }
0x4b: {  	_ =	shalt  }
0x4c: {  	_ =	shalt  }
0x4d: {  	_ =	shalt  }
0x4e: {  	_ =	shalt  }
0x4f: {  	_ =	shalt  }
0x50: {  	_ =	shalt  }
0x51: {  	_ =	shalt  }
0x52: {  	_ =	shalt  }
0x53: {  	_ =	shalt  }
0x54: {  	_ =	shalt  }
0x55: {  	_ =	shalt  }
0x56: {  	_ =	shalt  }
0x57: {  	_ =	shalt  }
0x58: {  	_ =	shalt  }
0x59: {  	_ =	shalt  }
0x5a: {  	_ =	shalt  }
0x5b: {  	_ =	shalt  }
0x5c: {  	_ =	shalt  }
0x5d: {  	_ =	shalt  }
0x5e: {  	_ =	shalt  }
0x5f: {  	_ =	shalt  }
0x60: {  	_ =	shalt  }
0x61: {  	_ =	shalt  }
0x62: {  	_ =	shalt  }
0x63: {  	_ =	shalt  }
0x64: {  	_ =	shalt  }
0x65: {  	_ =	shalt  }
0x66: {  	_ =	shalt  }
0x67: {  	_ =	shalt  }
0x68: {  	_ =	shalt  }
0x69: {  	_ =	shalt  }
0x6a: {  	_ =	shalt  }
0x6b: {  	_ =	shalt  }
0x6c: {  	_ =	shalt  }
0x6d: {  	_ =	shalt  }
0x6e: {  	_ =	shalt  }
0x6f: {  	_ =	shalt  }
0x70: {  	_ =	shalt  }
0x71: {  	_ =	shalt  }
0x72: {  	_ =	shalt  }
0x73: {  	_ =	shalt  }
0x74: {  	_ =	shalt  }
0x75: {  	_ =	shalt  }
0x76: {  	_ =	shalt  }
0x77: {  	_ =	shalt  }
0x78: {  	_ =	shalt  }
0x79: {  	_ =	shalt  }
0x7a: {  	_ =	shalt  }
0x7b: {  	_ =	shalt  }
0x7c: {  	_ =	shalt  }
0x7d: {  	_ =	shalt  }
0x7e: {  	_ =	shalt  }
0x7f: {  	_ =	shalt  }
0x80: {  	_ =	shalt  }
0x81: {  	_ =	shalt  }
0x82: {  	_ =	shalt  }
0x83: {  	_ =	shalt  }
0x84: {  	_ =	shalt  }
0x85: {  	_ =	shalt  }
0x86: {  	_ =	shalt  }
0x87: {  	_ =	shalt  }
.Lfunc_end0:
.L_simem_size_0:
called_computation_lowered:
.L_overlay_start_0:
0x88: {  	s0 =	sld [smem:$0x3FD9]  }
0x89: {  	s1 =	sld [smem:$0x3FFE];
	_ =	sdelay $0x3  }
0x8a: {  	s0 =	sadd.s32 s1, s0  }
0x8b: {  	[smem:$0x3FC6] =	sst s0  }
0x8c: {  	_ = 	snop  }
0x8d: {  	s0 =	sld [smem:$0x3FC9]  }
0x8e: {  	s17 =	sld [smem:$0x3FC8]  }
0x8f: {  	s2 =	sld [smem:$0x3FD0];
	(tm) =	ssettm $0x1  }
0x90: {  	s3 =	sld [smem:$0x3FFB];
	_ =	sdelay $0x3  }
0x91: {  	_ =	strace s3  }
0x92: {  	s3 =	sld [smem:$0x3FFC];
	_ =	sdelay $0x3  }
0x93: {  	_ =	strace s3  }
0x94: {  	s3 =	sld [smem:$0x3FFD];
	_ =	sdelay $0x3  }
0x95: {  	_ =	strace s3  }
0x96: {  	_ =	strace $0x8FFFFFFF  }
0x97: {  	s18 =	sld [smem:$0x3FDB];
	_ =	sdelay $0x1  }
0x98: {  	s4 =	simm.s32 $_scs_section_size  }
0x99: {  	s5 =	simm.s32 $_size__tile_overlayer_lowered;
	s6 =	simm.s32 $_tile_overlayer_lowered  }
0x9a: {  	s21 =	simm.s32 $0x1BFF;
	s20 =	sshll.u32 s6, $0x1;
	s3 =	sadd.s32 s4, s18  }
0x9b: {  	s7 =	simm.s32 $0x0;
	s19 =	sshll.u32 s5, $0x1;
	s5 =	sadd.s32 s20, s3  }
0x9c: {  	[timem:s7], [sflag:s21] =	dma.local [hbm:s5], s19  }
0x9d: {  	_ =	swait.ge [sflag:s21], s19  }
0x9e: {  	s4 =	ssub.s32 $0x0, s19;
	[sflag:s21] =	ssyncset.done $0x0  }
0x9f: {  	[sflag:s21] =	ssyncadd.s32 s4;
	_ =	sdelay $0x1  }
0xa0: {  	s22 =	simm.s32 $0x1B8B  }
0xa1: {  	_ =	swait.ge [sflag:s22], $0x1  }
0xa2: {  	[sflag:s22] =	ssyncset.done $0x0  }
0xa3: {  	s23 =	simm.s32 $0x1B8E;
	[sflag:s22] =	ssyncadd.s32 $0xFFFFFFFF  }
0xa4: {  	s24 =	simm.s32 $execute0_lowered;
	[smem:$0x3FD2] =	sst s23  }
0xa5: {  	s4 =	sshll.u32 s24, $0x1;
	_ =	strace $0x80000046;
	[dreg:$0x1] =	wrdreg $0xFFFFFFFF  }
0xa6: {  	s25 =	simm.s32 $_size_execute0_lowered;
	s3 =	sadd.s32 s3, s4;
	[dreg:$0x0] =	wrdreg $0x0  }
0xa7: {  	s4 =	sshll.u32 s25, $0x1;
	[dreg:$0x2] =	wrdreg s3  }
0xa8: {  	[dreg:$0x3] =	wrdreg s4  }
0xa9: {  	[dreg:$0x4] =	wrdreg $0xC0  }
0xaa: {  	_ =	task [dreg:s7], $0x5FFFF  }
0xab: {  	[dreg:$0x1] =	wrdreg $0xFFFFFFFF  }
0xac: {  	[dreg:$0x0] =	wrdreg $0x60  }
0xad: {  	[dreg:$0x2] =	wrdreg s0  }
0xae: {  	[dreg:$0x3] =	wrdreg s17  }
0xaf: {  	[dreg:$0x4] =	wrdreg s2  }
0xb0: {  	[dreg:$0x5] =	wrdreg $0x9  }
0xb1: {  	_ =	task.clear_ibuf [dreg:s7], $0x6FFFF;
	_ =	strace $0x90000046  }
0xb2: {  	s26 =	simm.s32 $0x9;
	_ =	strace $0x80000048  }
0xb3: {  	_ =	swait.ge [sflag:s26], $0x1  }
0xb4: {  	[sflag:s26] =	ssyncadd.s32 $0xFFFFFFFF  }
0xb5: {  	_ =	strace $0x90000048  }
0xb6: {  	_ =	sfence  }
0xb7: {  	s28 =	sld [smem:$0x0];
	_ =	sdelay $0x1  }
0xb8: {  	s29 =	srdreg.scid  }
0xb9: {  	s30 =	sshll.u32 s29, $0xD;
	s31 =	sshrl.u32 s29, $0x2  }
0xba: {  	s1 =	sand.u32 $0x1, s29;
	s2 =	sand.u32 $0x4000, s30;
	s0 =	sadd.s32 s31, s28  }
0xbb: {  	s1 =	sor.u32 s2, s1;
	s0 =	sshll.u32 s0, $0x11  }
0xbc: {  	s0 =	sor.u32 s0, s1  }
0xbd: {  	s0 =	sadd.s32 $0x8F2B, s0  }
0xbe: {  	[sflag:s0] =	ssyncadd.remote.s32 $0x1  }
0xbf: {  	_ =	sfence.sel $0xFFFF  }
0xc0: {  	[dreg:$0x0] =	wrdreg $0xFFFFFFFF;
	(pc) =	sbr.abs _section_cstart, $3  }
0xc1: {  	[dreg:$0x1] =	wrdreg $0xFFFFFFFF  }
0xc2: {  	_ =	task.clear_ibuf [dreg:s7], $0x2FFFF;
	_ =	strace $0x9FFFFFFF  }
0xc3: {  	(tm) =	ssettm $0x7FFFFFFF  }
tec
execute0_lowered:
.L_overlay_start_1:
0x0: {  	(tag) =	ssettag $0x1  }
0x1: {  	s3 =	rddreg [dreg:$0x0]  }
0x2: {  	s4 =	rddreg [dreg:$0x1]  }
0x3: {  	s2 =	rddreg [dreg:$0x2];
	s5 =	simm.s32 $0x0  }
0x4: {  	s1 =	stileid.u32;
	[smem:$0x7FF] =	sst s5  }
0x5: {  	s0 =	rddreg [dreg:$0x3];
	s23 =	smin.u32 s1, $0xE;
	_ =	strace $0x80000047  }
0x6: {  	[tilespmem:s5], [sflag:$0x1] =	stream.linear.gather [hbm4b:s3+s5], $0x800, $0x38;
	[tilespmem:$0x1080] =	vst v63  }
0x7: {  	s6 =	simm.s32 $0x800;
	s24 =	simm.s32 $0x1;
	s3 =	sshll.u32 s23, $0x5  }
0x8: {  	[tilespmem:s6], [sflag:$0x2] =	stream.linear.gather [hbm4b:s4+s5], $0x800, $0x38;
	[tilespmem:$0x1080] =	vst v63  }
0x9: {  	s25 =	sshll.u32 s1, $0x5;
	s3 =	sadd.s32 $0x220, s3;
	_ =	swait.ge [sflag:s24], $0x800  }
0xa: {  	s26 =	sxor.u32 $0x3E0, s25;
	v13 =	vmov s3;
	[sflag:s24] =	ssyncset.done $0x0  }
0xb: {  	s28 =	simm.s32 $0x2;
	s29 =	sor.u32 $0x800, s26;
	[sflag:s24] =	ssyncadd.s32 $0xFFFFF800  }
0xc: {  	v15 =	vmov s29;
	_ =	swait.ge [sflag:s28], $0x800  }
0xd: {  	[sflag:s28] =	ssyncset.done $0x0  }
0xe: {  	s31 =	simm.s32 $0x0;
	s30 =	sadd.s32 $0x20, s25;
	[sflag:s28] =	ssyncadd.s32 $0xFFFFF800  }
0xf: {  	v16 =	vmov s30;
	v0 =	vld.idx.msk [tilespmem:v13+s31+$0x0 ss:$0x1], $0xffff  }
0x10: {  	v4 =	vld [tilespmem:s31+$0x800]  }
0x11: {  	v7 =	vld.idx.msk [tilespmem:v15+s31+$0x0 ss:$0x1], $0xffff  }
0x12: {  	v8 =	vld.idx.msk [tilespmem:v15+s31+$0xFFFFFE00 ss:$0x1], $0xffff  }
0x13: {  	v17 =	vld [tilespmem:s31+$0x0]  }
0x14: {  	s3 =	simm.s32 $0x10;
	v10 =	vld.idx.msk [tilespmem:v16+s31+$0x0 ss:$0x1], $0xffff  }
0x15: {  	v1 =	vld.idx.msk [tilespmem:v13+s3+$0x0 ss:$0x1], $0xffff  }
0x16: {  	v3 =	vimm.f32 $0.0e+00;
	v2 =	vld [tilespmem:s3+$0x800]  }
0x17: {  	v18 =	vimm.f32 $0.0e+00;
	v6 =	vld.idx.msk [tilespmem:v15+s3+$0x0 ss:$0x1], $0xffff;
	v0 =	vmul.f32 v0, v4;
	v9 =	vmul.f32 v4, v4  }
0x18: {  	v5 =	vld.idx.msk [tilespmem:v15+s3+$0xFFFFFE00 ss:$0x1], $0xffff;
	v12 =	vmul.f32 v7, v17;
	v11 =	vmul.f32 v8, v17;
	v8 =	vimm.f32 $0.0e+00  }
0x19: {  	s4 =	simm.s32 $0x80;
	v7 =	vld.idx.msk [tilespmem:v16+s3+$0x0 ss:$0x1], $0xffff;
	v0 =	vadd.f32 v0, v3;
	v14 =	vadd.f32 v9, v3;
	v9 =	vimm.f32 $0.0e+00  }
.LBB2_1:
0x1a: {  	p0 =	sne.s32 s4, $0x1000;
	v19 =	vmul.f32 v17, v17;
	v17 =	vld [tilespmem:s3+$0x0];
	s3 =	sshra.s32 s4, $0x2;
	s4 =	sadd.s32 $0x40, s4;
	v21 =	vmul.f32 v10, v4  }
.Ltmp0:
0x1b: {  	v10 =	vmul.f32 v2, v2;
	v20 =	vmul.f32 v1, v2;
	v1 =	vld.idx.msk [tilespmem:v13+s3+$0x0 ss:$0x1], $0xffff;
	v3 =	vadd.f32 v12, v3;
	(pc) =	sbr.rel @p0 .LBB2_1-.Ltmp0, $4  }
0x1c: {  	v8 =	vadd.f32 v11, v8;
	v4 =	vmov v2;
	v9 =	vadd.f32 v21, v9;
	v2 =	vld [tilespmem:s3+$0x800]  }
0x1d: {  	v18 =	vadd.f32 v19, v18;
	v11 =	vmov v6;
	v0 =	vadd.f32 v20, v0;
	v6 =	vld.idx.msk [tilespmem:v15+s3+$0x0 ss:$0x1], $0xffff  }
0x1e: {  	v14 =	vadd.f32 v10, v14;
	v19 =	vmov v5;
	v5 =	vld.idx.msk [tilespmem:v15+s3+$0xFFFFFE00 ss:$0x1], $0xffff  }
0x1f: {  	v12 =	vmul.f32 v11, v17;
	v11 =	vmul.f32 v19, v17;
	v10 =	vmov v7;
	v7 =	vld.idx.msk [tilespmem:v16+s3+$0x0 ss:$0x1], $0xffff  }
0x20: {  	v13 =	vld [tilespmem:s3+$0x0]  }
0x21: {  	v16 =	vimm.s32 $0xFEDCBA98  }
0x22: {  	v32 =	vimm.s32 $0x76543210;
	v16 =	vunpack.c.l.s4.s8 v16  }
0x23: {  	v15 =	vmul.f32 v17, v17;
	v19 =	vimm.s32 $0xBA98FEDC;
	v17 =	vunpack.c.l.s4.s8 v32  }
0x24: {  	v20 =	vimm.s32 $0x32107654;
	v21 =	vmul.f32 v2, v2;
	v16 =	vunpack.c.0.s8.s32 v16  }
0x25: {  	v15 =	vadd.f32 v15, v18;
	v17 =	vunpack.c.0.s8.s32 v17;
	v33 =	vmul.f32 v13, v13  }
0x26: {  	v19 =	vunpack.c.l.s4.s8 v19;
	v20 =	vunpack.c.l.s4.s8 v20;
	v16 =	vand.u32 $0xF, v16  }
0x27: {  	v14 =	vadd.f32 v21, v14;
	v16 =	vcombine.low v16, v17;
	v15 =	vadd.f32 v33, v15  }
0x28: {  	v37 =	vimm.s32 $0xDCFE98BA;
	v34 =	vunpack.c.0.s8.s32 v19;
	v35 =	vunpack.c.0.s8.s32 v20  }
0x29: {  	v38 =	vimm.s32 $0x54761032;
	v21 =	vperm.xlane v14, v16;
	v36 =	vperm.xlane v15, v16  }
0x2a: {  	v39 =	vunpack.c.l.s4.s8 v38;
	v18 =	vunpack.c.l.s4.s8 v37;
	v17 =	vcombine.low v35, v34  }
0x2b: {  	v41 =	vimm.s32 $0xEFCDAB89;
	v14 =	vadd.f32 v21, v14;
	v15 =	vadd.f32 v36, v15  }
0x2c: {  	v19 =	vunpack.c.0.s8.s32 v39;
	v18 =	vunpack.c.0.s8.s32 v18;
	v17 =	vand.u32 $0xF, v17  }
0x2d: {  	v22 =	vimm.s32 $0x67452301;
	v23 =	vperm.xlane v14, v17;
	v40 =	vperm.xlane v15, v17  }
0x2e: {  	v42 =	vunpack.c.l.s4.s8 v41;
	v43 =	vunpack.c.l.s4.s8 v22;
	v18 =	vcombine.low v19, v18  }
0x2f: {  	v14 =	vadd.f32 v23, v14;
	v15 =	vadd.f32 v40, v15  }
0x30: {  	v44 =	vunpack.c.0.s8.s32 v43;
	v19 =	vunpack.c.0.s8.s32 v42;
	v18 =	vand.u32 $0xF, v18  }
0x31: {  	v46 =	vperm.xlane v14, v18;
	v45 =	vperm.xlane v15, v18  }
0x32: {  	v19 =	vcombine.low v44, v19  }
0x33: {  	v14 =	vadd.f32 v46, v14;
	v15 =	vadd.f32 v45, v15  }
0x34: {  	v19 =	vand.u32 $0xF, v19  }
0x35: {  	v48 =	vperm.xlane v14, v19;
	v47 =	vperm.xlane v15, v19;
	_ =	sdelay $0x1  }
0x36: {  	v14 =	vadd.f32 v48, v14;
	v15 =	vadd.f32 v47, v15;
	_ =	sdelay $0x1  }
0x37: {  	v14 =	vmul.f32 v14, v15;
	_ =	sdelay $0x1  }
0x38: {  	(v2sf) =	vpush v14, $0x0;
	_ =	sdelay $0xc  }
0x39: {  	v4 =	vmul.f32 v10, v4;
	v3 =	vadd.f32 v12, v3  }
0x3a: {  	v8 =	vadd.f32 v11, v8;
	v6 =	vmul.f32 v6, v13;
	v5 =	vmul.f32 v5, v13  }
0x3b: {  	v4 =	vadd.f32 v4, v9;
	v7 =	vmul.f32 v7, v2;
	s26 =	spop (v2sf)  }
0x3c: {  	v1 =	vmul.f32 v1, v2;
	v3 =	vadd.f32 v6, v3;
	v49 =	vadd.f32 v5, v8;
	s4 =	sshrl.u32 s26, $0x1;
	s3 =	smul.f32 $5.000000000e-01, s26  }
0x3d: {  	v4 =	vadd.f32 v7, v4;
	s4 =	ssub.s32 $0x5F3759DF, s4  }
0x3e: {  	v0 =	vadd.f32 v1, v0;
	v50 =	vperm.xlane v3, v16;
	v52 =	vperm.xlane v49, v16;
	s5 =	smul.f32 s4, s3  }
0x3f: {  	v53 =	vperm.xlane v4, v16  }
0x40: {  	v54 =	vperm.xlane v0, v16;
	v51 =	vadd.f32 v50, v3;
	v2 =	vadd.f32 v52, v49;
	s5 =	smul.f32 s4, s5  }
0x41: {  	v56 =	vadd.f32 v53, v4  }
0x42: {  	v0 =	vadd.f32 v54, v0;
	v55 =	vperm.xlane v51, v17;
	v57 =	vperm.xlane v2, v17;
	s5 =	ssub.f32 $1.500000000e+00, s5  }
0x43: {  	v5 =	vperm.xlane v56, v17  }
0x44: {  	v6 =	vperm.xlane v0, v17;
	v1 =	vadd.f32 v55, v51;
	v2 =	vadd.f32 v57, v2;
	s4 =	smul.f32 s4, s5  }
0x45: {  	v3 =	vadd.f32 v5, v56  }
0x46: {  	v0 =	vadd.f32 v6, v0;
	v7 =	vperm.xlane v1, v18;
	v4 =	vperm.xlane v2, v18;
	s5 =	smul.f32 s4, s3  }
0x47: {  	v5 =	vperm.xlane v3, v18  }
0x48: {  	v6 =	vperm.xlane v0, v18;
	v1 =	vadd.f32 v7, v1;
	v2 =	vadd.f32 v4, v2;
	s5 =	smul.f32 s5, s4  }
0x49: {  	vm0 =	vcmask $0x300;
	v58 =	vimm.f32 $0.0e+00;
	v3 =	vadd.f32 v5, v3  }
0x4a: {  	v0 =	vadd.f32 v6, v0;
	v7 =	vperm.xlane v1, v19;
	v4 =	vperm.xlane v2, v19;
	s5 =	ssub.f32 $1.500000000e+00, s5  }
0x4b: {  	vm13 =	vcmask $0x704;
	vm14 =	vcmask $0xB08;
	v5 =	vperm.xlane v3, v19  }
0x4c: {  	v6 =	vperm.xlane v0, v19;
	v1 =	vadd.f32 v7, v1;
	v2 =	vadd.f32 v4, v2;
	s4 =	smul.f32 s5, s4  }
0x4d: {  	v59 =	vsel vm0, $0x3F800000, v58;
	v60 =	vsel vm13, $0x3F800000, v58;
	v3 =	vadd.f32 v5, v3  }
0x4e: {  	p0 =	seq.s32 s1, $0xF;
	v0 =	vadd.f32 v6, v0;
	v1 =	vmul.f32 v59, v1;
	v2 =	vmul.f32 v60, v2;
	s5 =	simm.f32 $0.0e+00;
	s3 =	smul.f32 s4, s3  }
0x4f: {  	vm15 =	vcmask $0xF0C;
	v61 =	vsel vm14, $0x3F800000, v58;
	s5 =	simm.s32 @!p0 $0x3F800000  }
0x50: {  	v62 =	vmul.f32 v61, v3;
	v1 =	vadd.f32 v2, v1;
	v0 =	vmul.f32 s5, v0;
	s3 =	smul.f32 s3, s4  }
0x51: {  	v63 =	vsel vm15, $0x3F800000, v58  }
0x52: {  	v1 =	vadd.f32 v62, v1;
	v0 =	vmul.f32 v63, v0;
	s3 =	ssub.f32 $1.500000000e+00, s3;
	_ =	sdelay $0x1  }
0x53: {  	v0 =	vadd.f32 v0, v1;
	s3 =	smul.f32 s3, s4;
	_ =	sdelay $0x1  }
0x54: {  	v0 =	vmul.f32 s3, v0  }
0x55: {  	s28 =	sshll.u32 s1, $0x4;
	s29 =	simm.s32 $0x0  }
0x56: {  	s30 =	simm.s32 $0x1000;
	s31 =	simm.s32 $0x3;
	s2 =	sadd.s32 s2, s28;
	[tilespmem:$0x1000] =	vst v0  }
0x57: {  	[hbm4b:s2+s29] =	stream.linear.scatter [tilespmem:s30], [sflag:$0x3], $0x80, $0x38;
	[tilespmem:$0x1080] =	vst v63  }
0x58: {  	_ =	swait.ge [sflag:s31], $0x80  }
0x59: {  	[sflag:s31] =	ssyncset.done $0x0  }
0x5a: {  	[sflag:s31] =	ssyncadd.s32 $0xFFFFFF80  }
0x5b: {  	_ =	sfence.sel $0x180000  }
0x5c: {  	[bflag:$0x0] =	sbarrier.arrive $0xFFFF  }
0x5d: {  	p0 =	sne.s32 s1, $0x0;
	_ =	strace $0x90000047  }
0x5e: {  	s0 =	sadd.s32 @!p0 $0x100000, s0;
	[bflag:$0x2] =	sbarrier.arrive $0xFFFF  }
0x5f: {  	[sflag:s0] =	ssyncadd.tile.s32 @!p0 $0x1;
	_ =	shalt  }
.Lfunc_end2:
_tile_overlayer_lowered:
.L_overlay_start_2:
0x60: {  	(tag) =	ssettag $0x2  }
0x61: {  	s0 =	rddreg [dreg:$0x0];
	s2 =	stileid.u32  }
0x62: {  	s1 =	rddreg [dreg:$0x1];
	p0 =	sne.s32 s2, $0x0  }
0x63: {  	s3 =	rddreg [dreg:$0x2];
	[bflag:$0x3] =	sbarrier.arrive $0xFFFF;
	s2 =	simm.s32 @!p0 $0x1C03  }
0x64: {  	[timem:s3], [sflag:s2] =	dma.local @!p0 [hbm:s0], s1  }
0x65: {  	s0 =	simm.s32 @!p0 $0x3  }
0x66: {  	_ =	swait.ge @!p0 [sflag:s0], s1  }
0x67: {  	s1 =	ssub.s32 @!p0 $0x0, s1;
	[sflag:s0] =	ssyncset.done @!p0 $0x0  }
0x68: {  	[sflag:s0] =	ssyncadd.s32 @!p0 s1  }
0x69: {  	[bflag:$0x3] =	sbarrier.arrive $0xFFFF  }
0x6a: {  	_ =	shalt  }

</sc_bundles>
